<compile_context>
chip_gen: v7x
topology: tpu7x:2x2x1
jax: 0.10.2.dev20260603
libtpu: 0.0.44.dev20260713+nightly
codegen_flags: <defaults>
</compile_context>

<pallas_src>
import functools

import jax
import jax.numpy as jnp
from jax import lax
from jax.experimental import pallas as pl
from jax.experimental.pallas import tpu as pltpu
from jax.experimental.pallas import tpu_sc as plsc

_NC = 2
_NS = 16
_NW = _NC * _NS

_K = 125
_NBUF = 1
_PASSES = 1


def _xw_body(f_ref, w_ref, o_ref):
    o_ref[0] = jnp.dot(f_ref[...], w_ref[0], preferred_element_type=jnp.float32)


def _combine_body(p_ref, f_ref, ws_ref, b_ref, o_ref):
    h = jnp.dot(f_ref[...], ws_ref[...], preferred_element_type=jnp.float32)
    o_ref[...] = h + jnp.sum(p_ref[...], axis=0) + b_ref[...]


def _make_sc_kernel(n_pad, d_out, chunks):
    mesh = plsc.VectorSubcoreMesh(
        core_axis_name="c", subcore_axis_name="s", num_cores=_NC, num_subcores=_NS
    )
    rows_per_tile = n_pad // _NS
    hc = chunks // _PASSES
    assert chunks % _PASSES == 0 and hc % _NBUF == 0
    assert _PASSES == 1 or hc % 8 == 0

    scratch = (
        [
            pltpu.VMEM((hc, _K), jnp.int32),
            pltpu.VMEM((hc, _K), jnp.int32),
            pltpu.VMEM_SHARED((n_pad, d_out), jnp.float32),
        ]
        + [pltpu.VMEM((_K, d_out), jnp.float32) for _ in range(_NBUF)]
        + [pltpu.SemaphoreType.DMA for _ in range(_NBUF)]
    )

    @functools.partial(
        pl.kernel,
        mesh=mesh,
        out_type=jax.ShapeDtypeStruct((_NC, n_pad, d_out), jnp.float32),
        scratch_types=scratch,
    )
    def sc_kernel(xw_hbm, gidx_hbm, dst_hbm, zero_hbm, out_hbm,
                  idx_v, dst_v, acc_sh, *bufs_and_sems):
        rows = bufs_and_sems[:_NBUF]
        sem_g = bufs_and_sems[_NBUF:2 * _NBUF]
        c = lax.axis_index("c")
        s = lax.axis_index("s")
        w = c * _NS + s

        r0 = s * rows_per_tile
        pltpu.sync_copy(
            zero_hbm.at[pl.ds(r0, rows_per_tile)],
            acc_sh.at[pl.ds(r0, rows_per_tile)],
        )
        plsc.subcore_barrier()

        def fire_gather(g, b):
            pltpu.async_copy(xw_hbm.at[idx_v.at[g]], rows[b], sem_g[b])

        def wait_gather(g, b):
            pltpu.make_async_copy(xw_hbm.at[idx_v.at[g]], rows[b], sem_g[b]).wait()

        def scatter_add(g, b):
            pltpu.sync_copy(rows[b], acc_sh.at[dst_v.at[g]], add=True)

        for p in range(_PASSES):
            pltpu.sync_copy(gidx_hbm.at[w, pl.ds(p * hc, hc)], idx_v)
            pltpu.sync_copy(dst_hbm.at[w, pl.ds(p * hc, hc)], dst_v)

            if _NBUF == 1:
                @pl.loop(0, hc)
                def _(g):
                    pltpu.async_copy(
                        xw_hbm.at[idx_v.at[g]], rows[0], sem_g[0]
                    ).wait()
                    scatter_add(g, 0)
            else:
                fire_gather(0, 0)

                @pl.loop(0, hc - _NBUF, step=_NBUF)
                def _(G):
                    for b in range(_NBUF):
                        g = G + b
                        wait_gather(g, b)
                        fire_gather(g + 1, (b + 1) % _NBUF)
                        scatter_add(g, b)

                for b in range(_NBUF):
                    g = hc - _NBUF + b
                    wait_gather(g, b)
                    if b + 1 < _NBUF:
                        fire_gather(g + 1, b + 1)
                    scatter_add(g, b)

        plsc.subcore_barrier()

        pltpu.sync_copy(
            acc_sh.at[pl.ds(r0, rows_per_tile)],
            out_hbm.at[c, pl.ds(r0, rows_per_tile)],
        )

    return sc_kernel


def kernel(features, edge_index, edge_type, W_rel, W_self, bias):
    n_nodes, d_in = features.shape
    n_rel, _, d_out = W_rel.shape
    n_edges = edge_type.shape[0]

    bn = 2000
    n_blocks = n_nodes // bn

    xw = pl.pallas_call(
        _xw_body,
        grid=(n_blocks, n_rel),
        in_specs=[
            pl.BlockSpec((bn, d_in), lambda i, r: (i, 0)),
            pl.BlockSpec((1, d_in, d_out), lambda i, r: (r, 0, 0)),
        ],
        out_specs=pl.BlockSpec((1, bn, d_out), lambda i, r: (r, i, 0)),
        out_shape=jax.ShapeDtypeStruct((n_rel, n_nodes, d_out), jnp.float32),
    )(features, W_rel)
    xw_flat = xw.reshape(n_rel * n_nodes, d_out)

    src = edge_index[0]
    dst = edge_index[1]
    n_pad = ((n_nodes + 8 * _NS - 1) // (8 * _NS)) * (8 * _NS)
    per_tile = n_edges // _NW
    chunk_quant = _K * _NBUF * _PASSES * (8 if _PASSES > 1 else 1)
    per_tile_pad = ((per_tile + chunk_quant - 1) // chunk_quant) * chunk_quant
    chunks = per_tile_pad // _K
    pad = per_tile_pad - per_tile

    gidx = (edge_type * n_nodes + src).reshape(_NW, per_tile)
    dst2 = dst.reshape(_NW, per_tile)
    if pad:
        gidx = jnp.pad(gidx, ((0, 0), (0, pad)))
        n_scratch = n_pad - n_nodes
        pad_rows = n_nodes + (
            (jnp.arange(pad)[None, :] + 31 * jnp.arange(_NW)[:, None]) % n_scratch
        ).astype(jnp.int32)
        dst2 = jnp.concatenate([dst2, pad_rows], axis=1)
    gidx = gidx.reshape(_NW, chunks, _K)
    dst2 = dst2.reshape(_NW, chunks, _K)
    zeros_init = jnp.zeros((n_pad, d_out), jnp.float32)

    partials = _make_sc_kernel(n_pad, d_out, chunks)(
        xw_flat, gidx, dst2, zeros_init
    )

    h = pl.pallas_call(
        _combine_body,
        grid=(n_blocks,),
        in_specs=[
            pl.BlockSpec((_NC, bn, d_out), lambda i: (0, i, 0)),
            pl.BlockSpec((bn, d_in), lambda i: (i, 0)),
            pl.BlockSpec((d_in, d_out), lambda i: (0, 0)),
            pl.BlockSpec((d_out,), lambda i: (0,)),
        ],
        out_specs=pl.BlockSpec((bn, d_out), lambda i: (i, 0)),
        out_shape=jax.ShapeDtypeStruct((n_nodes, d_out), jnp.float32),
    )(partials, features, W_self, bias)
    return h

# --- scband reference (transcript-rebuilt; emitter-appended) ---
"""Pipeline reference for scband-rgcn-87926570484532 (READ-ONLY COPY).

The authoritative reference and input builder live on the scoring server;
editing this copy changes nothing except your own understanding.
"""

import jax, jax.numpy as jnp
import numpy as np

N = 10000
E = 320000
D_IN = 128
D_OUT = 128
R = 8


def setup_inputs(seed: int = 0) -> dict:
    key = jax.random.key(seed)
    ks = jax.random.split(key, 6)
    features = jax.random.normal(ks[0], (N, D_IN), dtype=jnp.float32)
    edge_index = jax.random.randint(ks[1], (2, E), 0, N, dtype=jnp.int32)
    edge_type = jax.random.randint(ks[2], (E,), 0, R, dtype=jnp.int32)
    # Learned parameters of My_RelGraphConv (regularizer=None, num_bases=num_rels
    # -> one full weight matrix per relation), plus self-loop weight and bias.
    W_rel = jax.random.normal(ks[3], (R, D_IN, D_OUT), dtype=jnp.float32) * (1.0 / np.sqrt(D_IN))
    W_self = jax.random.normal(ks[4], (D_IN, D_OUT), dtype=jnp.float32) * (1.0 / np.sqrt(D_IN))
    bias = jnp.zeros((D_OUT,), dtype=jnp.float32)
    return {
        "features": features,
        "edge_index": edge_index,
        "edge_type": edge_type,
        "W_rel": W_rel,
        "W_self": W_self,
        "bias": bias,
    }


def reference(features, edge_index, edge_type, W_rel, W_self, bias):
    # Relational graph convolution (DGL-style RelGraphConv, single layer):
    #   m_e = x[src_e] @ W[rel_e]
    #   h_v = sum_{e: dst_e = v} m_e + x_v @ W_self + bias
    src = edge_index[0]
    dst = edge_index[1]
    # Transform every node under every relation, then gather per-edge message.
    # (Equivalent math to per-edge weight gather, but avoids materializing
    #  an [E, D_IN, D_OUT] weight tensor.)
    xw = jnp.einsum("nd,rdh->rnh", features, W_rel)  # [R, N, D_OUT]
    msg = xw[edge_type, src]                          # [E, D_OUT] gather
    agg = jax.ops.segment_sum(msg, dst, num_segments=N)  # scatter-add over dst
    h = agg + features @ W_self + bias
    return h

if __name__ == "__main__":
    import jax
    _d = setup_inputs()
    print(jax.jit(kernel)(*tuple(_d.values())))

</pallas_src>

<mosaic_0001>
#map = affine_map<(d0, d1) -> (0, 0)>
#map1 = affine_map<(d0, d1) -> (0, 0, 0)>
module attributes {stable_mosaic.version = 14 : i64} {
  func.func @sc_kernel(%arg0: i32, %arg1: i32, %arg2: memref<80000x128xf32, #tpu.memory_space<hbm>>, %arg3: memref<32x80x125xi32, #tpu.memory_space<hbm>>, %arg4: memref<32x80x125xi32, #tpu.memory_space<hbm>>, %arg5: memref<10112x128xf32, #tpu.memory_space<hbm>>, %arg6: memref<2x10112x128xf32, #tpu.memory_space<hbm>>, %arg7: memref<80x125xi32, #tpu.memory_space<vmem>>, %arg8: memref<80x125xi32, #tpu.memory_space<vmem>>, %arg9: memref<10112x128xf32, #tpu.memory_space<vmem_shared>>, %arg10: memref<125x128xf32, #tpu.memory_space<vmem>>, %arg11: memref<!tpu.dma_semaphore, #tpu.memory_space<semaphore_mem>>) attributes {dimension_semantics = [#tpu.dimension_semantics<core_parallel>, #tpu.dimension_semantics<subcore_parallel>], iteration_bounds = array<i64: 2, 16>, scalar_prefetch = 0 : i64, scratch_operands = 5 : i64, tpu.core_type = #tpu.core_type<sc_vector_subcore>, window_params = [{transform_indices = #map}, {transform_indices = #map1}, {transform_indices = #map1}, {transform_indices = #map}, {transform_indices = #map1}]} {
    %mul3A = arith.constant 16 : i32
    %mul3A_0 = arith.muli %arg0, %mul3A : i32
    %add3A = arith.addi %mul3A_0, %arg1 : i32
    %mul3A_1 = arith.constant 632 : i32
    %mul3A_2 = arith.muli %arg1, %mul3A_1 : i32
    "tpu.region"() ({
      %run_scoped3A = tpu.sem_alloc : memref<!tpu.dma_semaphore, #tpu.memory_space<semaphore_mem>>
      %dma_start3A = arith.constant 0 : i32
      %dma_start3A_8 = tpu.memref_slice %arg9[%mul3A_2, %dma_start3A] : memref<10112x128xf32, #tpu.memory_space<vmem_shared>> -> memref<632x128xf32, #tpu.memory_space<vmem_shared>>
      %dma_start3A_9 = arith.constant 0 : i32
      %dma_start3A_10 = tpu.memref_slice %arg5[%mul3A_2, %dma_start3A_9] : memref<10112x128xf32, #tpu.memory_space<hbm>> -> memref<632x128xf32, #tpu.memory_space<hbm>>
      tpu.enqueue_dma source(%dma_start3A_10 : memref<632x128xf32, #tpu.memory_space<hbm>>) target(%dma_start3A_8 : memref<632x128xf32, #tpu.memory_space<vmem_shared>>) target_semaphore(%run_scoped3A : memref<!tpu.dma_semaphore, #tpu.memory_space<semaphore_mem>>)
      %dma_wait3A = arith.constant 0 : i32
      %dma_wait3A_11 = tpu.memref_slice %arg9[%mul3A_2, %dma_wait3A] : memref<10112x128xf32, #tpu.memory_space<vmem_shared>> -> memref<632x128xf32, #tpu.memory_space<vmem_shared>>
      %dma_wait3A_12 = arith.constant 0 : i32
      %dma_wait3A_13 = tpu.memref_slice %arg5[%mul3A_2, %dma_wait3A_12] : memref<10112x128xf32, #tpu.memory_space<hbm>> -> memref<632x128xf32, #tpu.memory_space<hbm>>
      tpu.wait_dma2 semaphore(%run_scoped3A : memref<!tpu.dma_semaphore, #tpu.memory_space<semaphore_mem>>) src(%dma_wait3A_13 : memref<632x128xf32, #tpu.memory_space<hbm>>) dst(%dma_wait3A_11 : memref<632x128xf32, #tpu.memory_space<vmem_shared>>)
      tpu.yield
    }) : () -> ()
    %barrier3A = arith.constant 0 : index
    tpu.barrier barrier_id(%barrier3A)
    "tpu.region"() ({
      %run_scoped3A = tpu.sem_alloc : memref<!tpu.dma_semaphore, #tpu.memory_space<semaphore_mem>>
      %dma_start3A = arith.constant 0 : i32
      %dma_start3A_8 = arith.constant 0 : i32
      %dma_start3A_9 = tpu.memref_slice %arg3[%add3A, %dma_start3A, %dma_start3A_8] : memref<32x80x125xi32, #tpu.memory_space<hbm>> -> memref<1x80x125xi32, #tpu.memory_space<hbm>>
      %dma_start3A_10 = tpu.memref_squeeze %dma_start3A_9 : memref<1x80x125xi32, #tpu.memory_space<hbm>> -> memref<80x125xi32, #tpu.memory_space<hbm>>
      %dma_start3A_11 = arith.constant 0 : i32
      %dma_start3A_12 = arith.constant 0 : i32
      %dma_start3A_13 = tpu.memref_slice %arg3[%add3A, %dma_start3A_11, %dma_start3A_12] : memref<32x80x125xi32, #tpu.memory_space<hbm>> -> memref<1x80x125xi32, #tpu.memory_space<hbm>>
      %dma_start3A_14 = tpu.memref_squeeze %dma_start3A_13 : memref<1x80x125xi32, #tpu.memory_space<hbm>> -> memref<80x125xi32, #tpu.memory_space<hbm>>
      tpu.enqueue_dma source(%dma_start3A_14 : memref<80x125xi32, #tpu.memory_space<hbm>>) target(%arg7 : memref<80x125xi32, #tpu.memory_space<vmem>>) target_semaphore(%run_scoped3A : memref<!tpu.dma_semaphore, #tpu.memory_space<semaphore_mem>>)
      %dma_wait3A = arith.constant 0 : i32
      %dma_wait3A_15 = arith.constant 0 : i32
      %dma_wait3A_16 = tpu.memref_slice %arg3[%add3A, %dma_wait3A, %dma_wait3A_15] : memref<32x80x125xi32, #tpu.memory_space<hbm>> -> memref<1x80x125xi32, #tpu.memory_space<hbm>>
      %dma_wait3A_17 = tpu.memref_squeeze %dma_wait3A_16 : memref<1x80x125xi32, #tpu.memory_space<hbm>> -> memref<80x125xi32, #tpu.memory_space<hbm>>
      %dma_wait3A_18 = arith.constant 0 : i32
      %dma_wait3A_19 = arith.constant 0 : i32
      %dma_wait3A_20 = tpu.memref_slice %arg3[%add3A, %dma_wait3A_18, %dma_wait3A_19] : memref<32x80x125xi32, #tpu.memory_space<hbm>> -> memref<1x80x125xi32, #tpu.memory_space<hbm>>
      %dma_wait3A_21 = tpu.memref_squeeze %dma_wait3A_20 : memref<1x80x125xi32, #tpu.memory_space<hbm>> -> memref<80x125xi32, #tpu.memory_space<hbm>>
      tpu.wait_dma2 semaphore(%run_scoped3A : memref<!tpu.dma_semaphore, #tpu.memory_space<semaphore_mem>>) src(%dma_wait3A_21 : memref<80x125xi32, #tpu.memory_space<hbm>>) dst(%arg7 : memref<80x125xi32, #tpu.memory_space<vmem>>)
      tpu.yield
    }) : () -> ()
    "tpu.region"() ({
      %run_scoped3A = tpu.sem_alloc : memref<!tpu.dma_semaphore, #tpu.memory_space<semaphore_mem>>
      %dma_start3A = arith.constant 0 : i32
      %dma_start3A_8 = arith.constant 0 : i32
      %dma_start3A_9 = tpu.memref_slice %arg4[%add3A, %dma_start3A, %dma_start3A_8] : memref<32x80x125xi32, #tpu.memory_space<hbm>> -> memref<1x80x125xi32, #tpu.memory_space<hbm>>
      %dma_start3A_10 = tpu.memref_squeeze %dma_start3A_9 : memref<1x80x125xi32, #tpu.memory_space<hbm>> -> memref<80x125xi32, #tpu.memory_space<hbm>>
      %dma_start3A_11 = arith.constant 0 : i32
      %dma_start3A_12 = arith.constant 0 : i32
      %dma_start3A_13 = tpu.memref_slice %arg4[%add3A, %dma_start3A_11, %dma_start3A_12] : memref<32x80x125xi32, #tpu.memory_space<hbm>> -> memref<1x80x125xi32, #tpu.memory_space<hbm>>
      %dma_start3A_14 = tpu.memref_squeeze %dma_start3A_13 : memref<1x80x125xi32, #tpu.memory_space<hbm>> -> memref<80x125xi32, #tpu.memory_space<hbm>>
      tpu.enqueue_dma source(%dma_start3A_14 : memref<80x125xi32, #tpu.memory_space<hbm>>) target(%arg8 : memref<80x125xi32, #tpu.memory_space<vmem>>) target_semaphore(%run_scoped3A : memref<!tpu.dma_semaphore, #tpu.memory_space<semaphore_mem>>)
      %dma_wait3A = arith.constant 0 : i32
      %dma_wait3A_15 = arith.constant 0 : i32
      %dma_wait3A_16 = tpu.memref_slice %arg4[%add3A, %dma_wait3A, %dma_wait3A_15] : memref<32x80x125xi32, #tpu.memory_space<hbm>> -> memref<1x80x125xi32, #tpu.memory_space<hbm>>
      %dma_wait3A_17 = tpu.memref_squeeze %dma_wait3A_16 : memref<1x80x125xi32, #tpu.memory_space<hbm>> -> memref<80x125xi32, #tpu.memory_space<hbm>>
      %dma_wait3A_18 = arith.constant 0 : i32
      %dma_wait3A_19 = arith.constant 0 : i32
      %dma_wait3A_20 = tpu.memref_slice %arg4[%add3A, %dma_wait3A_18, %dma_wait3A_19] : memref<32x80x125xi32, #tpu.memory_space<hbm>> -> memref<1x80x125xi32, #tpu.memory_space<hbm>>
      %dma_wait3A_21 = tpu.memref_squeeze %dma_wait3A_20 : memref<1x80x125xi32, #tpu.memory_space<hbm>> -> memref<80x125xi32, #tpu.memory_space<hbm>>
      tpu.wait_dma2 semaphore(%run_scoped3A : memref<!tpu.dma_semaphore, #tpu.memory_space<semaphore_mem>>) src(%dma_wait3A_21 : memref<80x125xi32, #tpu.memory_space<hbm>>) dst(%arg8 : memref<80x125xi32, #tpu.memory_space<vmem>>)
      tpu.yield
    }) : () -> ()
    %scan3A = arith.constant 0 : i32
    %scan3A_3 = arith.constant 80 : i32
    %scan3A_4 = arith.addi %scan3A, %scan3A_3 : i32
    %scan3A_5 = arith.constant 1 : i32
    scf.for %scan3A_8 = %scan3A to %scan3A_4 step %scan3A_5  : i32 {
      %mul3A_9 = arith.constant 1 : i32
      %mul3A_10 = arith.muli %scan3A_8, %mul3A_9 : i32
      %add3A_11 = arith.constant 0 : i32
      %add3A_12 = arith.addi %add3A_11, %mul3A_10 : i32
      %dma_start3A = arith.constant 0 : i32
      %dma_start3A_13 = tpu.memref_slice %arg7[%add3A_12, %dma_start3A] : memref<80x125xi32, #tpu.memory_space<vmem>> -> memref<1x125xi32, #tpu.memory_space<vmem>>
      %dma_start3A_14 = tpu.memref_squeeze %dma_start3A_13 : memref<1x125xi32, #tpu.memory_space<vmem>> -> memref<125xi32, #tpu.memory_space<vmem>>
      %dma_start3A_15 = arith.constant 0 : i32
      %dma_start3A_16 = arith.constant 0 : i32
      %dma_start3A_17 = tpu.memref_slice %arg2[%dma_start3A_15, %dma_start3A_16] : memref<80000x128xf32, #tpu.memory_space<hbm>> -> memref<80000x128xf32, #tpu.memory_space<hbm>>
      tpu.enqueue_indirect_dma source(%dma_start3A_17 : memref<80000x128xf32, #tpu.memory_space<hbm>>) target(%arg10 : memref<125x128xf32, #tpu.memory_space<vmem>>) offsets(%dma_start3A_14 : memref<125xi32, #tpu.memory_space<vmem>>) semaphore(%arg11 : memref<!tpu.dma_semaphore, #tpu.memory_space<semaphore_mem>>)
      %dma_wait3A = arith.constant 0 : i32
      %dma_wait3A_18 = tpu.memref_slice %arg7[%add3A_12, %dma_wait3A] : memref<80x125xi32, #tpu.memory_space<vmem>> -> memref<1x125xi32, #tpu.memory_space<vmem>>
      %dma_wait3A_19 = tpu.memref_squeeze %dma_wait3A_18 : memref<1x125xi32, #tpu.memory_space<vmem>> -> memref<125xi32, #tpu.memory_space<vmem>>
      %dma_wait3A_20 = arith.constant 0 : i32
      %dma_wait3A_21 = arith.constant 0 : i32
      %dma_wait3A_22 = tpu.memref_slice %arg2[%dma_wait3A_20, %dma_wait3A_21] : memref<80000x128xf32, #tpu.memory_space<hbm>> -> memref<80000x128xf32, #tpu.memory_space<hbm>>
      tpu.wait_indirect_dma semaphore(%arg11 : memref<!tpu.dma_semaphore, #tpu.memory_space<semaphore_mem>>) src(%dma_wait3A_22 : memref<80000x128xf32, #tpu.memory_space<hbm>>) dst(%arg10 : memref<125x128xf32, #tpu.memory_space<vmem>>)
      "tpu.region"() ({
        %run_scoped3A = tpu.sem_alloc : memref<!tpu.dma_semaphore, #tpu.memory_space<semaphore_mem>>
        %dma_start3A_23 = arith.constant 0 : i32
        %dma_start3A_24 = tpu.memref_slice %arg8[%add3A_12, %dma_start3A_23] : memref<80x125xi32, #tpu.memory_space<vmem>> -> memref<1x125xi32, #tpu.memory_space<vmem>>
        %dma_start3A_25 = tpu.memref_squeeze %dma_start3A_24 : memref<1x125xi32, #tpu.memory_space<vmem>> -> memref<125xi32, #tpu.memory_space<vmem>>
        %dma_start3A_26 = arith.constant 0 : i32
        %dma_start3A_27 = arith.constant 0 : i32
        %dma_start3A_28 = tpu.memref_slice %arg9[%dma_start3A_26, %dma_start3A_27] : memref<10112x128xf32, #tpu.memory_space<vmem_shared>> -> memref<10112x128xf32, #tpu.memory_space<vmem_shared>>
        tpu.enqueue_indirect_dma source(%arg10 : memref<125x128xf32, #tpu.memory_space<vmem>>) target(%dma_start3A_28 : memref<10112x128xf32, #tpu.memory_space<vmem_shared>>) offsets(%dma_start3A_25 : memref<125xi32, #tpu.memory_space<vmem>>) semaphore(%run_scoped3A : memref<!tpu.dma_semaphore, #tpu.memory_space<semaphore_mem>>) {add = true}
        %dma_wait3A_29 = arith.constant 0 : i32
        %dma_wait3A_30 = tpu.memref_slice %arg8[%add3A_12, %dma_wait3A_29] : memref<80x125xi32, #tpu.memory_space<vmem>> -> memref<1x125xi32, #tpu.memory_space<vmem>>
        %dma_wait3A_31 = tpu.memref_squeeze %dma_wait3A_30 : memref<1x125xi32, #tpu.memory_space<vmem>> -> memref<125xi32, #tpu.memory_space<vmem>>
        %dma_wait3A_32 = arith.constant 0 : i32
        %dma_wait3A_33 = arith.constant 0 : i32
        %dma_wait3A_34 = tpu.memref_slice %arg9[%dma_wait3A_32, %dma_wait3A_33] : memref<10112x128xf32, #tpu.memory_space<vmem_shared>> -> memref<10112x128xf32, #tpu.memory_space<vmem_shared>>
        tpu.wait_indirect_dma semaphore(%run_scoped3A : memref<!tpu.dma_semaphore, #tpu.memory_space<semaphore_mem>>) src(%arg10 : memref<125x128xf32, #tpu.memory_space<vmem>>) dst(%dma_wait3A_34 : memref<10112x128xf32, #tpu.memory_space<vmem_shared>>)
        tpu.yield
      }) : () -> ()
    }
    %scan3A_6 = arith.constant 80 : i32
    %barrier3A_7 = arith.constant 0 : index
    tpu.barrier barrier_id(%barrier3A_7)
    "tpu.region"() ({
      %run_scoped3A = tpu.sem_alloc : memref<!tpu.dma_semaphore, #tpu.memory_space<semaphore_mem>>
      %dma_start3A = arith.constant 0 : i32
      %dma_start3A_8 = tpu.memref_slice %arg6[%arg0, %mul3A_2, %dma_start3A] : memref<2x10112x128xf32, #tpu.memory_space<hbm>> -> memref<1x632x128xf32, #tpu.memory_space<hbm>>
      %dma_start3A_9 = tpu.memref_squeeze %dma_start3A_8 : memref<1x632x128xf32, #tpu.memory_space<hbm>> -> memref<632x128xf32, #tpu.memory_space<hbm>>
      %dma_start3A_10 = arith.constant 0 : i32
      %dma_start3A_11 = tpu.memref_slice %arg9[%mul3A_2, %dma_start3A_10] : memref<10112x128xf32, #tpu.memory_space<vmem_shared>> -> memref<632x128xf32, #tpu.memory_space<vmem_shared>>
      tpu.enqueue_dma source(%dma_start3A_11 : memref<632x128xf32, #tpu.memory_space<vmem_shared>>) target(%dma_start3A_9 : memref<632x128xf32, #tpu.memory_space<hbm>>) target_semaphore(%run_scoped3A : memref<!tpu.dma_semaphore, #tpu.memory_space<semaphore_mem>>)
      %dma_wait3A = arith.constant 0 : i32
      %dma_wait3A_12 = tpu.memref_slice %arg6[%arg0, %mul3A_2, %dma_wait3A] : memref<2x10112x128xf32, #tpu.memory_space<hbm>> -> memref<1x632x128xf32, #tpu.memory_space<hbm>>
      %dma_wait3A_13 = tpu.memref_squeeze %dma_wait3A_12 : memref<1x632x128xf32, #tpu.memory_space<hbm>> -> memref<632x128xf32, #tpu.memory_space<hbm>>
      %dma_wait3A_14 = arith.constant 0 : i32
      %dma_wait3A_15 = tpu.memref_slice %arg9[%mul3A_2, %dma_wait3A_14] : memref<10112x128xf32, #tpu.memory_space<vmem_shared>> -> memref<632x128xf32, #tpu.memory_space<vmem_shared>>
      tpu.wait_dma2 semaphore(%run_scoped3A : memref<!tpu.dma_semaphore, #tpu.memory_space<semaphore_mem>>) src(%dma_wait3A_15 : memref<632x128xf32, #tpu.memory_space<vmem_shared>>) dst(%dma_wait3A_13 : memref<632x128xf32, #tpu.memory_space<hbm>>)
      tpu.yield
    }) : () -> ()
    return
  }
}

module attributes {stable_mosaic.version = 14 : i64} {
  func.func @_xw_body(%arg0: i32, %arg1: i32, %arg2: memref<2000x128xf32, #tpu.memory_space<vmem>>, %arg3: memref<1x128x128xf32, #tpu.memory_space<vmem>>, %arg4: memref<1x2000x128xf32, #tpu.memory_space<vmem>>) attributes {dimension_semantics = [#tpu.dimension_semantics<arbitrary>, #tpu.dimension_semantics<arbitrary>], iteration_bounds = array<i64: 5, 8>, scalar_prefetch = 0 : i64, scratch_operands = 0 : i64, tpu.core_type = #tpu.core_type<tc>, window_params = [{transform_indices = @transform_0, window_bounds = array<i64: 2000, 128>}, {transform_indices = @transform_1, window_bounds = array<i64: 1, 128, 128>}, {transform_indices = @transform_2, window_bounds = array<i64: 1, 2000, 128>}]} {
    %get3A = arith.constant 0 : index
    %get3A_0 = arith.constant 0 : index
    %get3A_1 = vector.load %arg2[%get3A, %get3A_0] : memref<2000x128xf32, #tpu.memory_space<vmem>>, vector<2000x128xf32>
    %get3A_2 = arith.constant 0 : index
    %get3A_3 = arith.constant 0 : index
    %get3A_4 = arith.constant 0 : index
    %get3A_5 = vector.load %arg3[%get3A_2, %get3A_3, %get3A_4] : memref<1x128x128xf32, #tpu.memory_space<vmem>>, vector<1x128x128xf32>
    %get3A_6 = vector.shape_cast %get3A_5 : vector<1x128x128xf32> to vector<128x128xf32>
    %dot_general3A = arith.constant dense<0.000000e+00> : vector<2000x128xf32>
    %dot_general3A_7 = tpu.matmul %get3A_1, %get3A_6, %dot_general3A {dimension_numbers = #tpu.dot_dimension_numbers<[1], [0], [0], [1], [0, 0, 1, 1], [], []>, transpose_lhs_hint = false} : vector<2000x128xf32>, vector<128x128xf32>, vector<2000x128xf32> -> vector<2000x128xf32>
    %swap3A = arith.constant 0 : index
    %swap3A_8 = arith.constant 0 : index
    %swap3A_9 = arith.constant 0 : index
    %swap3A_10 = vector.load %arg4[%swap3A, %swap3A_8, %swap3A_9] : memref<1x2000x128xf32, #tpu.memory_space<vmem>>, vector<1x2000x128xf32>
    %swap3A_11 = vector.shape_cast %swap3A_10 : vector<1x2000x128xf32> to vector<2000x128xf32>
    %swap3A_12 = vector.shape_cast %dot_general3A_7 : vector<2000x128xf32> to vector<1x2000x128xf32>
    tpu.vector_store %arg4[%swap3A, %swap3A_8, %swap3A_9], %swap3A_12 {strides = array<i32>} : memref<1x2000x128xf32, #tpu.memory_space<vmem>>, vector<1x2000x128xf32>,
    return
  }
  func.func @transform_0(%arg0: i32, %arg1: i32) -> (i32, i32) {
    %c0_i32 = arith.constant 0 : i32
    %c0_i32_0 = arith.constant 0 : i32
    return %arg0, %c0_i32 : i32, i32
  }
  func.func @transform_1(%arg0: i32, %arg1: i32) -> (i32, i32, i32) {
    %c0_i32 = arith.constant 0 : i32
    %c0_i32_0 = arith.constant 0 : i32
    %c0_i32_1 = arith.constant 0 : i32
    return %arg1, %c0_i32, %c0_i32_0 : i32, i32, i32
  }
  func.func @transform_2(%arg0: i32, %arg1: i32) -> (i32, i32, i32) {
    %c0_i32 = arith.constant 0 : i32
    %c0_i32_0 = arith.constant 0 : i32
    return %arg1, %arg0, %c0_i32 : i32, i32, i32
  }
}

module attributes {stable_mosaic.version = 14 : i64} {
  func.func @_combine_body(%arg0: i32, %arg1: memref<2x2000x128xf32, #tpu.memory_space<vmem>>, %arg2: memref<2000x128xf32, #tpu.memory_space<vmem>>, %arg3: memref<128x128xf32, #tpu.memory_space<vmem>>, %arg4: memref<128xf32, #tpu.memory_space<vmem>>, %arg5: memref<2000x128xf32, #tpu.memory_space<vmem>>) attributes {dimension_semantics = [#tpu.dimension_semantics<arbitrary>], iteration_bounds = array<i64: 5>, scalar_prefetch = 0 : i64, scratch_operands = 0 : i64, tpu.core_type = #tpu.core_type<tc>, window_params = [{transform_indices = @transform_0, window_bounds = array<i64: 2, 2000, 128>}, {transform_indices = @transform_1, window_bounds = array<i64: 2000, 128>}, {pipeline_mode = #tpu.pipeline_mode<synchronous>, transform_indices = @transform_2, window_bounds = array<i64: 128, 128>}, {pipeline_mode = #tpu.pipeline_mode<synchronous>, transform_indices = @transform_3, window_bounds = array<i64: 128>}, {transform_indices = @transform_4, window_bounds = array<i64: 2000, 128>}]} {
    %get3A = arith.constant 0 : index
    %get3A_0 = arith.constant 0 : index
    %get3A_1 = vector.load %arg2[%get3A, %get3A_0] : memref<2000x128xf32, #tpu.memory_space<vmem>>, vector<2000x128xf32>
    %get3A_2 = arith.constant 0 : index
    %get3A_3 = arith.constant 0 : index
    %get3A_4 = vector.load %arg3[%get3A_2, %get3A_3] : memref<128x128xf32, #tpu.memory_space<vmem>>, vector<128x128xf32>
    %dot_general3A = arith.constant dense<0.000000e+00> : vector<2000x128xf32>
    %dot_general3A_5 = tpu.matmul %get3A_1, %get3A_4, %dot_general3A {dimension_numbers = #tpu.dot_dimension_numbers<[1], [0], [0], [1], [0, 0, 1, 1], [], []>, transpose_lhs_hint = false} : vector<2000x128xf32>, vector<128x128xf32>, vector<2000x128xf32> -> vector<2000x128xf32>
    %get3A_6 = arith.constant 0 : index
    %get3A_7 = arith.constant 0 : index
    %get3A_8 = arith.constant 0 : index
    %get3A_9 = vector.load %arg1[%get3A_6, %get3A_7, %get3A_8] : memref<2x2000x128xf32, #tpu.memory_space<vmem>>, vector<2x2000x128xf32>
    %reduce_sum3A = arith.constant dense<0.000000e+00> : vector<2000x128xf32>
    %reduce_sum3A_10 = vector.multi_reduction <add>, %get3A_9, %reduce_sum3A [0] : vector<2x2000x128xf32> to vector<2000x128xf32>
    %add3A = arith.addf %dot_general3A_5, %reduce_sum3A_10 : vector<2000x128xf32>
    %get3A_11 = arith.constant 0 : index
    %get3A_12 = vector.load %arg4[%get3A_11] : memref<128xf32, #tpu.memory_space<vmem>>, vector<128xf32>
    %broadcast_in_dim3A = vector.shape_cast %get3A_12 : vector<128xf32> to vector<1x128xf32>
    %add3A_13 = vector.broadcast %broadcast_in_dim3A : vector<1x128xf32> to vector<2000x128xf32>
    %add3A_14 = arith.addf %add3A, %add3A_13 : vector<2000x128xf32>
    %swap3A = arith.constant 0 : index
    %swap3A_15 = arith.constant 0 : index
    %swap3A_16 = vector.load %arg5[%swap3A, %swap3A_15] : memref<2000x128xf32, #tpu.memory_space<vmem>>, vector<2000x128xf32>
    tpu.vector_store %arg5[%swap3A, %swap3A_15], %add3A_14 {strides = array<i32>} : memref<2000x128xf32, #tpu.memory_space<vmem>>, vector<2000x128xf32>,
    return
  }
  func.func @transform_0(%arg0: i32) -> (i32, i32, i32) {
    %c0_i32 = arith.constant 0 : i32
    %c0_i32_0 = arith.constant 0 : i32
    %c0_i32_1 = arith.constant 0 : i32
    return %c0_i32, %arg0, %c0_i32_0 : i32, i32, i32
  }
  func.func @transform_1(%arg0: i32) -> (i32, i32) {
    %c0_i32 = arith.constant 0 : i32
    %c0_i32_0 = arith.constant 0 : i32
    return %arg0, %c0_i32 : i32, i32
  }
  func.func @transform_2(%arg0: i32) -> (i32, i32) {
    %c0_i32 = arith.constant 0 : i32
    %c0_i32_0 = arith.constant 0 : i32
    %c0_i32_1 = arith.constant 0 : i32
    return %c0_i32, %c0_i32_0 : i32, i32
  }
  func.func @transform_3(%arg0: i32) -> i32 {
    %c0_i32 = arith.constant 0 : i32
    %c0_i32_0 = arith.constant 0 : i32
    return %c0_i32 : i32
  }
  func.func @transform_4(%arg0: i32) -> (i32, i32) {
    %c0_i32 = arith.constant 0 : i32
    %c0_i32_0 = arith.constant 0 : i32
    return %arg0, %c0_i32 : i32, i32
  }
}

</mosaic_0001>

<sc_bundles>
// kernel: kernel.5.cloned.1.call-start
scs
__scs_entry_jumppad:
0x0: {  	(pc) =	sbr.rel $0x88, $3  }
0x1: {  	(tag) =	ssettag $0x0;
	lr =	simm.s32 $0x1  }
0x2: {  	[smem:$0x3F9B] =	sst lr;
	_ =	strace $0xD0000000  }
0x3: {  	_ = 	snop  }
0x4: {  	_ = 	snop  }
0x5: {  	_ = 	snop  }
0x6: {  	_ = 	snop  }
0x7: {  	_ = 	snop  }
__scs_overlays_trampoline_lowered:
0x8: {  	[smem:$0x3FAA] =	sst s0  }
0x9: {  	[smem:$0x3FAB] =	sst s1  }
0xa: {  	[smem:$0x3FAC] =	sst s2  }
0xb: {  	[smem:$0x3FAD] =	sst s3  }
0xc: {  	[smem:$0x3FAE] =	sst s4  }
0xd: {  	[smem:$0x3FAF] =	sst s5  }
0xe: {  	[smem:$0x3FB0] =	sst s6  }
0xf: {  	[smem:$0x3FB1] =	sst s7  }
0x10: {  	[smem:$0x3FB2] =	sst s8  }
0x11: {  	[smem:$0x3FB3] =	sst s9;
	s0 =	simm.s32 @!p0 $0x0  }
0x12: {  	s1 =	sld [smem:$0x3F99];
	s0 =	simm.s32 @p0 $0x1  }
0x13: {  	[smem:$0x3FB4] =	sst s0;
	s0 =	simm.s32 @!p1 $0x0  }
0x14: {  	s2 =	sld [smem:$0x3F98];
	s0 =	simm.s32 @p1 $0x1  }
0x15: {  	[smem:$0x3FB5] =	sst s0;
	s0 =	simm.s32 @!p2 $0x0  }
0x16: {  	s3 =	sld [smem:$0x3FDB];
	s0 =	simm.s32 @p2 $0x1  }
0x17: {  	s4 =	simm.s32 $0x1BF5;
	[smem:$0x3FB7] =	sst s0  }
0x18: {  	s0 =	sld [smem:$0x3F9A];
	_ =	swait.ge [sflag:s4], $0x0  }
0x19: {  	s7 =	sld [smem:$0x3F9B]  }
0x1a: {  	s8 =	sadd.s32 $0xFFFFE003, lr  }
0x1b: {  	s9 =	sadd.s32 $0xFFFFFEF7, lr;
	s5 =	simm.s32 $0xFFFFFFFF;
	p2 =	slt.u32 s8, $0xFFFFF086  }
0x1c: {  	p1 =	slt.u32 s9, $0xF7A;
	s5 =	simm.s32 @!p2 $0x0  }
0x1d: {  	s5 =	simm.s32 @p1 $0x1;
	p0 =	seq.s32 s7, s2  }
0x1e: {  	s7 =	smul.u32 @!p0 $0xF7A, s2;
	p2 =	seq.s32 @!p0 s5, $0x0  }
0x1f: {  	s9 =	smul.u32 $0xF7A, s1;
	s8 =	simm.s32 @!p0 $0x1BF5;
	p2 =	por !p2, p0  }
0x20: {  	[sflag:s8] =	ssyncset.s32 @!p0 $0xFFFFF086;
	s6 =	sadd.s32 @!p0 s3, s7;
	s7 =	simm.s32 @!p0 $0x108  }
0x21: {  	s3 =	sadd.s32 s3, s9;
	s6 =	sadd.s32 @!p0 $0x88, s6;
	s7 =	simm.s32 @p2 $0x1082  }
0x22: {  	[simem:s7], [sflag:s8] =	dma.local @!p0 [hbm:s6], $0xF7A  }
0x23: {  	s9 =	sor.u32 $0xD0000000, s2;
	s6 =	simm.s32 $0x108;
	_ =	swait.ge @!p0 [sflag:s8], $0x0  }
0x24: {  	s3 =	sadd.s32 $0x88, s3;
	s6 =	simm.s32 @!p1 $0x1082;
	[sflag:s4] =	ssyncset.s32 $0xFFFFF086  }
0x25: {  	[simem:s6], [sflag:s4] =	dma.local [hbm:s3], $0xF7A  }
0x26: {  	[smem:$0x3F9B] =	sst s1;
	(tag) =	ssettag s2;
	_ =	strace s9  }
0x27: {  	s1 =	sld [smem:$0x3FAB]  }
0x28: {  	s2 =	sld [smem:$0x3FAC]  }
0x29: {  	s4 =	sld [smem:$0x3FAE]  }
0x2a: {  	p0 =	seq.s32 s5, $0x0;
	s5 =	sld [smem:$0x3FAF]  }
0x2b: {  	s6 =	sld [smem:$0x3FB0]  }
0x2c: {  	s7 =	sld [smem:$0x3FB1]  }
0x2d: {  	s3 =	simm.s32 $0x108;
	s8 =	sld [smem:$0x3FB2]  }
0x2e: {  	s3 =	simm.s32 @!p0 $0x1082;
	s9 =	sld [smem:$0x3FB3]  }
0x2f: {  	lr =	sadd.s32 s0, s3;
	s0 =	sld [smem:$0x3FAA]  }
0x30: {  	s3 =	sld [smem:$0x3FAD]  }
0x31: {  	[smem:$0x3FB6] =	sst s10  }
0x32: {  	s10 =	sld [smem:$0x3FB4];
	_ =	sdelay $0x3  }
0x33: {  	p0 =	seq.s32 s10, $0x1;
	s10 =	sld [smem:$0x3FB6];
	_ =	sdelay $0x3  }
0x34: {  	[smem:$0x3FB6] =	sst s10  }
0x35: {  	s10 =	sld [smem:$0x3FB5];
	_ =	sdelay $0x3  }
0x36: {  	p1 =	seq.s32 s10, $0x1;
	s10 =	sld [smem:$0x3FB6];
	_ =	sdelay $0x3  }
0x37: {  	[smem:$0x3FB6] =	sst s10  }
0x38: {  	s10 =	sld [smem:$0x3FB7]  }
0x39: {  	_ = 	snop;
	(pc) =	sbr.ind lr, $3  }
0x3a: {  	_ = 	snop  }
0x3b: {  	_ = 	snop  }
0x3c: {  	p2 =	seq.s32 s10, $0x1;
	s10 =	sld [smem:$0x3FB6]  }
0x3d: {  	_ =	shalt  }
0x3e: {  	_ =	shalt  }
0x3f: {  	_ =	shalt  }
0x40: {  	_ =	shalt  }
0x41: {  	_ =	shalt  }
0x42: {  	_ =	shalt  }
0x43: {  	_ =	shalt  }
0x44: {  	_ =	shalt  }
0x45: {  	_ =	shalt  }
0x46: {  	_ =	shalt  }
0x47: {  	_ =	shalt  }
0x48: {  	_ =	shalt  }
0x49: {  	_ =	shalt  }
0x4a: {  	_ =	shalt  }
0x4b: {  	_ =	shalt  }
0x4c: {  	_ =	shalt  }
0x4d: {  	_ =	shalt  }
0x4e: {  	_ =	shalt  }
0x4f: {  	_ =	shalt  }
0x50: {  	_ =	shalt  }
0x51: {  	_ =	shalt  }
0x52: {  	_ =	shalt  }
0x53: {  	_ =	shalt  }
0x54: {  	_ =	shalt  }
0x55: {  	_ =	shalt  }
0x56: {  	_ =	shalt  }
0x57: {  	_ =	shalt  }
0x58: {  	_ =	shalt  }
0x59: {  	_ =	shalt  }
0x5a: {  	_ =	shalt  }
0x5b: {  	_ =	shalt  }
0x5c: {  	_ =	shalt  }
0x5d: {  	_ =	shalt  }
0x5e: {  	_ =	shalt  }
0x5f: {  	_ =	shalt  }
0x60: {  	_ =	shalt  }
0x61: {  	_ =	shalt  }
0x62: {  	_ =	shalt  }
0x63: {  	_ =	shalt  }
0x64: {  	_ =	shalt  }
0x65: {  	_ =	shalt  }
0x66: {  	_ =	shalt  }
0x67: {  	_ =	shalt  }
0x68: {  	_ =	shalt  }
0x69: {  	_ =	shalt  }
0x6a: {  	_ =	shalt  }
0x6b: {  	_ =	shalt  }
0x6c: {  	_ =	shalt  }
0x6d: {  	_ =	shalt  }
0x6e: {  	_ =	shalt  }
0x6f: {  	_ =	shalt  }
0x70: {  	_ =	shalt  }
0x71: {  	_ =	shalt  }
0x72: {  	_ =	shalt  }
0x73: {  	_ =	shalt  }
0x74: {  	_ =	shalt  }
0x75: {  	_ =	shalt  }
0x76: {  	_ =	shalt  }
0x77: {  	_ =	shalt  }
0x78: {  	_ =	shalt  }
0x79: {  	_ =	shalt  }
0x7a: {  	_ =	shalt  }
0x7b: {  	_ =	shalt  }
0x7c: {  	_ =	shalt  }
0x7d: {  	_ =	shalt  }
0x7e: {  	_ =	shalt  }
0x7f: {  	_ =	shalt  }
0x80: {  	_ =	shalt  }
0x81: {  	_ =	shalt  }
0x82: {  	_ =	shalt  }
0x83: {  	_ =	shalt  }
0x84: {  	_ =	shalt  }
0x85: {  	_ =	shalt  }
0x86: {  	_ =	shalt  }
0x87: {  	_ =	shalt  }
.Lfunc_end0:
.L_simem_size_0:
called_computation_lowered:
.L_overlay_start_0:
0x88: {  	s2 =	sld [smem:$0x3FD9]  }
0x89: {  	s3 =	sld [smem:$0x3FFE];
	_ =	sdelay $0x1  }
0x8a: {  	s1 =	srdreg.scid  }
0x8b: {  	s0 =	sand.u32 $0x1, s1  }
0x8c: {  	s17 =	sshll.u32 s0, $0xA;
	s2 =	sadd.s32 s3, s2  }
0x8d: {  	s2 =	sadd.s32 s2, s17  }
0x8e: {  	[smem:$0x3FC2] =	sst s2  }
0x8f: {  	_ = 	snop  }
0x90: {  	s2 =	sld [smem:$0x3FD0];
	(tm) =	ssettm $0x1  }
0x91: {  	s18 =	sld [smem:$0x3FFB];
	_ =	sdelay $0x3  }
0x92: {  	_ =	strace s18  }
0x93: {  	s3 =	sld [smem:$0x3FFC];
	_ =	sdelay $0x3  }
0x94: {  	_ =	strace s3  }
0x95: {  	s3 =	sld [smem:$0x3FFD];
	_ =	sdelay $0x3  }
0x96: {  	_ =	strace s3  }
0x97: {  	_ =	strace $0x8FFFFFFF  }
0x98: {  	s19 =	sld [smem:$0x3FDB];
	_ =	sdelay $0x1  }
0x99: {  	s4 =	simm.s32 $_scs_section_size  }
0x9a: {  	s5 =	simm.s32 $_size__tile_overlayer_lowered;
	s6 =	simm.s32 $_tile_overlayer_lowered  }
0x9b: {  	s22 =	simm.s32 $0x1BFF;
	s21 =	sshll.u32 s6, $0x1;
	s3 =	sadd.s32 s4, s19  }
0x9c: {  	s7 =	simm.s32 $0x0;
	s20 =	sshll.u32 s5, $0x1;
	s5 =	sadd.s32 s21, s3  }
0x9d: {  	[timem:s7], [sflag:s22] =	dma.local [hbm:s5], s20  }
0x9e: {  	_ =	swait.ge [sflag:s22], s20  }
0x9f: {  	s4 =	ssub.s32 $0x0, s20;
	[sflag:s22] =	ssyncset.done $0x0  }
0xa0: {  	[sflag:s22] =	ssyncadd.s32 s4;
	_ =	sdelay $0x1  }
0xa1: {  	s23 =	simm.s32 $0x1B8B  }
0xa2: {  	_ =	swait.ge [sflag:s23], $0x1  }
0xa3: {  	[sflag:s23] =	ssyncset.done $0x0  }
0xa4: {  	s25 =	simm.s32 $0x1B8E;
	s24 =	sld [smem:$0x3FFE];
	[sflag:s23] =	ssyncadd.s32 $0xFFFFFFFF  }
0xa5: {  	s26 =	simm.s32 $execute0_lowered;
	[smem:$0x3FD2] =	sst s25  }
0xa6: {  	s5 =	sshll.u32 s26, $0x1;
	_ =	strace $0x80000046;
	[dreg:$0x1] =	wrdreg $0xFFFFFFFF  }
0xa7: {  	s28 =	simm.s32 $_size_execute0_lowered;
	s3 =	sadd.s32 s3, s5;
	[dreg:$0x0] =	wrdreg $0x0  }
0xa8: {  	s5 =	sshll.u32 s28, $0x1;
	[dreg:$0x2] =	wrdreg s3  }
0xa9: {  	[dreg:$0x3] =	wrdreg s5  }
0xaa: {  	[dreg:$0x4] =	wrdreg $0xC0  }
0xab: {  	_ =	task [dreg:s7], $0x5FFFF  }
0xac: {  	[dreg:$0x1] =	wrdreg $0xFFFFFFFF  }
0xad: {  	[dreg:$0x0] =	wrdreg $0x60  }
0xae: {  	[dreg:$0x2] =	wrdreg s24  }
0xaf: {  	[dreg:$0x3] =	wrdreg s2  }
0xb0: {  	[dreg:$0x4] =	wrdreg $0x50000  }
0xb1: {  	[dreg:$0x5] =	wrdreg $0x9  }
0xb2: {  	_ =	task.clear_ibuf [dreg:s7], $0x6FFFF;
	_ =	strace $0x90000046  }
0xb3: {  	s29 =	simm.s32 $0x9;
	_ =	strace $0x80000048  }
0xb4: {  	_ =	swait.ge [sflag:s29], $0x1  }
0xb5: {  	[sflag:s29] =	ssyncadd.s32 $0xFFFFFFFF  }
0xb6: {  	_ =	strace $0x90000048  }
0xb7: {  	_ =	sfence  }
0xb8: {  	s30 =	sld [smem:$0x0];
	_ =	sdelay $0x2  }
0xb9: {  	s31 =	sshll.u32 s1, $0xD;
	s1 =	sshrl.u32 s1, $0x2  }
0xba: {  	s3 =	sand.u32 $0x4000, s31;
	s1 =	sadd.s32 s1, s30  }
0xbb: {  	s0 =	sor.u32 s3, s0;
	s1 =	sshll.u32 s1, $0x11  }
0xbc: {  	s0 =	sor.u32 s1, s0  }
0xbd: {  	s0 =	sadd.s32 $0x8F2B, s0  }
0xbe: {  	[sflag:s0] =	ssyncadd.remote.s32 $0x1  }
0xbf: {  	_ =	sfence.sel $0xFFFF  }
0xc0: {  	[dreg:$0x0] =	wrdreg $0xFFFFFFFF;
	(pc) =	sbr.abs _section_cstart, $3  }
0xc1: {  	[dreg:$0x1] =	wrdreg $0xFFFFFFFF  }
0xc2: {  	_ =	task.clear_ibuf [dreg:s7], $0x2FFFF;
	_ =	strace $0x9FFFFFFF  }
0xc3: {  	(tm) =	ssettm $0x7FFFFFFF  }
tec
execute0_lowered:
.L_overlay_start_1:
0x0: {  	(tag) =	ssettag $0x1  }
0x1: {  	s5 =	rddreg [dreg:$0x0]  }
0x2: {  	s0 =	srdreg.scid;
	s7 =	rddreg [dreg:$0x1]  }
0x3: {  	s2 =	rddreg [dreg:$0x2];
	s3 =	simm.s32 $0x0;
	s15 =	simm.s32 $0x18C00  }
0x4: {  	s16 =	simm.s32 $0x1;
	s6 =	sand.u32 $0x1, s0;
	s0 =	stileid.u32  }
0x5: {  	s17 =	simm.s32 $0x0;
	[smem:$0x7FF] =	sst s3;
	s9 =	smul.u32 $0x13C00, s0  }
0x6: {  	s1 =	sshll.u32 s6, $0x4;
	s10 =	smul.u32 $0x13C000, s6;
	s6 =	ssub.s32 $0x2, s6  }
0x7: {  	s29 =	smul.u32 $0x4F000, s0;
	s31 =	sshll.u32 s0, $0x6;
	s4 =	sor.u32 s0, s1  }
0x8: {  	s1 =	rddreg [dreg:$0x3];
	_ =	strace $0x80000047;
	s13 =	sshrl.u32 s6, $0x1  }
0x9: {  	s8 =	smul.u32 $0x500, s4;
	s4 =	sadd.s32 $0xAE00, s5;
	s12 =	sshrl.u32 s9, $0x3  }
0xa: {  	s9 =	sadd.s32 s9, s10;
	s13 =	ssub.s32 s6, s13;
	s30 =	sshrl.u32 s29, $0x2  }
0xb: {  	s6 =	sor.u32 $0x1C02, s31;
	s12 =	sadd.s32 s12, s5;
	s9 =	sshrl.u32 s9, $0x3  }
0xc: {  	s14 =	sadd.s32 s30, s2;
	s10 =	smax.u32 s13, $0x1;
	s13 =	simm.s32 $0x2800  }
0xd: {  	s11 =	sadd.s32 s8, s5;
	s9 =	sadd.s32 s9, s5;
	s5 =	sadd.s32 $0x143600, s12  }
0xe: {  	s7 =	sadd.s32 s7, s8;
	s12 =	simm.s32 $0x2;
	s8 =	sadd.s32 $0xE00, s11  }
0xf: {  	s9 =	sadd.s32 $0x16AE00, s9;
	s11 =	sshrl.u32 s14, $0x3;
	s14 =	simm.s32 $0x7D  }
.LBB2_1:
0x10: {  	[spmem:s11], [sflag:s6] =	dma.local [hbm:s5], $0x2780  }
0x11: {  	_ =	swait.ge [sflag:s12], $0x2780  }
0x12: {  	[sflag:s12] =	ssyncset.done $0x0  }
0x13: {  	[sflag:s12] =	ssyncadd.s32 $0xFFFFD880  }
0x14: {  	[bflag:$0x0] =	sbarrier.arrive $0xFFFF  }
0x15: {  	[tilespmem:s3], [sflag:$0x2] =	stream.linear.gather [hbm4b:s7+s3], $0x2800, $0x38;
	[tilespmem:$0x1CC00] =	vst v63  }
0x16: {  	_ =	swait.ge [sflag:s12], $0x2800  }
0x17: {  	[sflag:s12] =	ssyncset.done $0x0  }
0x18: {  	[sflag:s12] =	ssyncadd.s32 $0xFFFFD800  }
0x19: {  	[tilespmem:s13], [sflag:$0x2] =	stream.linear.gather [hbm4b:s8+s3], $0x2800, $0x38;
	[tilespmem:$0x1CC00] =	vst v63  }
0x1a: {  	_ =	swait.ge [sflag:s12], $0x2800  }
0x1b: {  	[sflag:s12] =	ssyncset.done $0x0  }
0x1c: {  	s18 =	simm.s32 $0x0;
	[sflag:s12] =	ssyncadd.s32 $0xFFFFD800  }
0x1d: {  	[tilespmem:s15], [sflag:$0x1] =	stream.indirect.gather [hbm4b:s4+s14], $0x80, s18, s14, $0xb8;
	[tilespmem:$0x1CC00] =	vst v63  }
0x1e: {  	_ =	swait.ge [sflag:s16], $0x3E80  }
0x1f: {  	[sflag:s16] =	ssyncset.done $0x0  }
0x20: {  	s31 =	simm.s32 $0x2800;
	[sflag:s16] =	ssyncadd.s32 $0xFFFFC180  }
0x21: {  	[spmem:s2] =	stream.indirect.scatter.add.f32 [tilespmem:s15], [sflag:$0x2], $0x80, s31, s14, $0xb8;
	[tilespmem:$0x1CC00] =	vst v63  }
0x22: {  	_ =	swait.ge [sflag:s12], $0x3E80  }
0x23: {  	s19 =	simm.s32 $0x400;
	s18 =	simm.s32 $0x200;
	[sflag:s12] =	ssyncset.done $0x0  }
.LBB2_2:
0x24: {  	s20 =	sshra.s32 s18, $0x2  }
0x25: {  	[sflag:s12] =	ssyncadd.s32 $0xFFFFC180;
	s18 =	smov.u32 s19;
	s21 =	sadd.s32 $0x200, s19  }
0x26: {  	[tilespmem:s15], [sflag:$0x1] =	stream.indirect.gather [hbm4b:s4+s14], $0x80, s20, s14, $0xb8;
	[tilespmem:$0x1CC00] =	vst v63  }
0x27: {  	p0 =	sne.s32 s19, $0x9E00;
	_ =	swait.ge [sflag:s16], $0x3E80  }
.Ltmp0:
0x28: {  	[sflag:s16] =	ssyncset.done $0x0;
	(pc) =	sbr.rel @p0 .LBB2_2-.Ltmp0, $4  }
0x29: {  	s19 =	sadd.s32 $0x2800, s20;
	[sflag:s16] =	ssyncadd.s32 $0xFFFFC180  }
0x2a: {  	[spmem:s2] =	stream.indirect.scatter.add.f32 [tilespmem:s15], [sflag:$0x2], $0x80, s19, s14, $0xb8;
	[tilespmem:$0x1CC00] =	vst v63  }
0x2b: {  	_ =	swait.ge [sflag:s12], $0x3E80  }
0x2c: {  	s19 =	smov.u32 s21;
	[sflag:s12] =	ssyncset.done $0x0  }
0x2d: {  	s18 =	sshra.s32 s18, $0x2;
	[sflag:s12] =	ssyncadd.s32 $0xFFFFC180  }
0x2e: {  	[tilespmem:s15], [sflag:$0x1] =	stream.indirect.gather [hbm4b:s4+s14], $0x80, s18, s14, $0xb8;
	[tilespmem:$0x1CC00] =	vst v63  }
0x2f: {  	_ =	swait.ge [sflag:s16], $0x3E80  }
0x30: {  	[sflag:s16] =	ssyncset.done $0x0  }
0x31: {  	s18 =	sadd.s32 $0x2800, s18;
	[sflag:s16] =	ssyncadd.s32 $0xFFFFC180  }
0x32: {  	[spmem:s2] =	stream.indirect.scatter.add.f32 [tilespmem:s15], [sflag:$0x2], $0x80, s18, s14, $0xb8;
	[tilespmem:$0x1CC00] =	vst v63  }
0x33: {  	_ =	swait.ge [sflag:s12], $0x3E80  }
0x34: {  	s17 =	sadd.s32 $0x1, s17;
	[sflag:s12] =	ssyncset.done $0x0  }
0x35: {  	p0 =	sne.s32 s17, s10;
	[sflag:s12] =	ssyncadd.s32 $0xFFFFC180  }
.Ltmp1:
0x36: {  	[bflag:$0x0] =	sbarrier.arrive $0xFFFF;
	(pc) =	sbr.rel @p0 .LBB2_1-.Ltmp1, $4  }
0x37: {  	[hbm:s9], [sflag:s6] =	dma.local [spmem:s11], $0x2780  }
0x38: {  	_ =	swait.ge [sflag:s12], $0x2780  }
0x39: {  	[sflag:s12] =	ssyncset.done $0x0  }
0x3a: {  	[sflag:s12] =	ssyncadd.s32 $0xFFFFD880  }
0x3b: {  	_ =	sfence.sel $0x180000  }
0x3c: {  	[bflag:$0x0] =	sbarrier.arrive $0xFFFF  }
0x3d: {  	p0 =	sne.s32 s0, $0x0;
	_ =	strace $0x90000047  }
0x3e: {  	s0 =	sadd.s32 @!p0 $0x100000, s1;
	[bflag:$0x2] =	sbarrier.arrive $0xFFFF  }
0x3f: {  	[sflag:s0] =	ssyncadd.tile.s32 @!p0 $0x1;
	_ =	shalt  }
.Lfunc_end2:
_tile_overlayer_lowered:
.L_overlay_start_2:
0x40: {  	(tag) =	ssettag $0x2  }
0x41: {  	s0 =	rddreg [dreg:$0x0];
	s2 =	stileid.u32  }
0x42: {  	s1 =	rddreg [dreg:$0x1];
	p0 =	sne.s32 s2, $0x0  }
0x43: {  	s3 =	rddreg [dreg:$0x2];
	[bflag:$0x3] =	sbarrier.arrive $0xFFFF;
	s2 =	simm.s32 @!p0 $0x1C02  }
0x44: {  	[timem:s3], [sflag:s2] =	dma.local @!p0 [hbm:s0], s1  }
0x45: {  	s0 =	simm.s32 @!p0 $0x2  }
0x46: {  	_ =	swait.ge @!p0 [sflag:s0], s1  }
0x47: {  	s1 =	ssub.s32 @!p0 $0x0, s1;
	[sflag:s0] =	ssyncset.done @!p0 $0x0  }
0x48: {  	[sflag:s0] =	ssyncadd.s32 @!p0 s1  }
0x49: {  	[bflag:$0x3] =	sbarrier.arrive $0xFFFF  }
0x4a: {  	_ =	shalt  }

</sc_bundles>
